<compile_context>
chip_gen: v7x
topology: tpu7x:2x2x1
jax: 0.10.2.dev20260603
libtpu: 0.0.44.dev20260713+nightly
codegen_flags: <defaults>
</compile_context>

<pallas_src>
import functools

import jax
import jax.numpy as jnp
from jax import lax
from jax.experimental import pallas as pl
from jax.experimental.pallas import tpu as pltpu
from jax.experimental.pallas import tpu_sc as plsc

_B = 2048
_BLK = 256
_K = 512
_D = 256

_NC, _NS = 2, 16
_NW = _NC * _NS
_BPW = _B // _NW


def _pick_block(x_ref, emb_ref, embT_ref, idx_ref):
    x = x_ref[...]
    emb = emb_ref[...]
    embT = embT_ref[...]

    esq = jnp.sum(emb * emb, axis=0)
    dots = jax.lax.dot_general(
        x, emb, (((1,), (0,)), ((), ())),
        precision=jax.lax.Precision.HIGHEST,
        preferred_element_type=jnp.float32)
    s = esq[None, :] - 2.0 * dots

    kidx = jax.lax.broadcasted_iota(jnp.int32, s.shape, 1)
    m1 = jnp.min(s, axis=1, keepdims=True)
    i1 = jnp.min(jnp.where(s == m1, kidx, _K), axis=1)
    s2 = jnp.where(kidx == i1[:, None], jnp.inf, s)
    m2 = jnp.min(s2, axis=1, keepdims=True)
    i2 = jnp.min(jnp.where(s2 == m2, kidx, _K), axis=1)

    oh1 = (kidx == i1[:, None]).astype(jnp.float32)
    oh2 = (kidx == i2[:, None]).astype(jnp.float32)
    e1 = jax.lax.dot_general(
        oh1, embT, (((1,), (0,)), ((), ())),
        precision=jax.lax.Precision.HIGHEST,
        preferred_element_type=jnp.float32)
    e2 = jax.lax.dot_general(
        oh2, embT, (((1,), (0,)), ((), ())),
        precision=jax.lax.Precision.HIGHEST,
        preferred_element_type=jnp.float32)

    d1 = jnp.sum((x - e1) ** 2, axis=1)
    d2 = jnp.sum((x - e2) ** 2, axis=1)
    pick1 = (d1 < d2) | ((d1 == d2) & (i1 < i2))
    idx_ref[0, 0, :] = jnp.where(pick1, i1, i2)


def _tc_pick(x, weight, weight_t):
    nblk = _B // _BLK
    idx = pl.pallas_call(
        _pick_block,
        grid=(nblk,),
        in_specs=[
            pl.BlockSpec((_BLK, _D), lambda i: (i, 0)),
            pl.BlockSpec((_D, _K), lambda i: (0, 0)),
            pl.BlockSpec((_K, _D), lambda i: (0, 0)),
        ],
        out_specs=pl.BlockSpec((1, 1, _BLK), lambda i: (i, 0, 0)),
        out_shape=jax.ShapeDtypeStruct((nblk, 1, _BLK), jnp.int32),
    )(x, weight, weight_t)
    return idx.reshape(_B)


def _sc_gather_body(table_hbm, idx_hbm, out_hbm, idx_v, rows_v, sem):
    wid = lax.axis_index("s") * _NC + lax.axis_index("c")
    base = wid * _BPW
    pltpu.sync_copy(idx_hbm.at[pl.ds(base, _BPW)], idx_v)
    pltpu.async_copy(table_hbm.at[idx_v], rows_v, sem).wait()
    pltpu.sync_copy(rows_v, out_hbm.at[pl.ds(base, _BPW)])


def _sc_gather(table, idx):
    k = functools.partial(
        pl.kernel,
        mesh=plsc.VectorSubcoreMesh(core_axis_name="c", subcore_axis_name="s"),
        out_type=jax.ShapeDtypeStruct((_B, _D), jnp.float32),
        scratch_types=[
            pltpu.VMEM((_BPW,), jnp.int32),
            pltpu.VMEM((_BPW, _D), jnp.float32),
            pltpu.SemaphoreType.DMA,
        ],
    )(_sc_gather_body)
    return k(table, idx)


@jax.jit
def kernel(x, weight):
    weight_t = weight.T
    idx = _tc_pick(x, weight, weight_t)
    return _sc_gather(weight_t, idx)

# --- scband reference (transcript-rebuilt; emitter-appended) ---
"""Pipeline reference for scband-nearest-embed-module-31911607009948 (READ-ONLY COPY).

The authoritative reference and input builder live on the scoring server;
editing this copy changes nothing except your own understanding.
"""

import jax, jax.numpy as jnp
import numpy as np


def setup_inputs(seed: int = 0) -> dict:
    key = jax.random.key(seed)
    kx, kw = jax.random.split(key)
    x = jax.random.normal(kx, (2048, 256), dtype=jnp.float32)
    # weight per init: torch.rand(num_embeddings=256, embeddings_dim=512), uniform [0,1)
    weight = jax.random.uniform(kw, (256, 512), dtype=jnp.float32)
    return {"x": x, "weight": weight}


def reference(x, weight):
    # emb has shape (emb_size, num_emb) = (256, 512)
    emb = weight
    # dist[b, k] = sum_d (x[b, d] - emb[d, k])^2  -> (B, num_emb)
    x_expanded = x[:, :, None]          # (B, emb_size, 1)
    emb_expanded = emb[None, :, :]      # (1, emb_size, num_emb)
    dist = jnp.sum((x_expanded - emb_expanded) ** 2, axis=1)  # (B, num_emb)
    argmin = jnp.argmin(dist, axis=1)   # (B,)  (dim=1 passed in forward)
    # emb.index_select(1, argmin).t() -> (B, emb_size)
    result = jnp.take(emb, argmin, axis=1).T
    return result

if __name__ == "__main__":
    import jax
    _d = setup_inputs()
    print(jax.jit(kernel)(*tuple(_d.values())))

</pallas_src>

<mosaic_0001>
#map = affine_map<(d0, d1) -> (0, 0)>
#map1 = affine_map<(d0, d1) -> (0)>
module attributes {stable_mosaic.version = 14 : i64} {
  func.func @_sc_gather_body(%arg0: i32, %arg1: i32, %arg2: memref<512x256xf32, #tpu.memory_space<hbm>>, %arg3: memref<2048xi32, #tpu.memory_space<hbm>>, %arg4: memref<2048x256xf32, #tpu.memory_space<hbm>>, %arg5: memref<64xi32, #tpu.memory_space<vmem>>, %arg6: memref<64x256xf32, #tpu.memory_space<vmem>>, %arg7: memref<!tpu.dma_semaphore, #tpu.memory_space<semaphore_mem>>) attributes {dimension_semantics = [#tpu.dimension_semantics<core_parallel>, #tpu.dimension_semantics<subcore_parallel>], iteration_bounds = array<i64: 2, 16>, scalar_prefetch = 0 : i64, scratch_operands = 3 : i64, tpu.core_type = #tpu.core_type<sc_vector_subcore>, window_params = [{transform_indices = #map}, {transform_indices = #map1}, {transform_indices = #map}]} {
    %mul3A = arith.constant 2 : i32
    %mul3A_0 = arith.muli %arg1, %mul3A : i32
    %add3A = arith.addi %mul3A_0, %arg0 : i32
    %mul3A_1 = arith.constant 64 : i32
    %mul3A_2 = arith.muli %add3A, %mul3A_1 : i32
    "tpu.region"() ({
      %run_scoped3A = tpu.sem_alloc : memref<!tpu.dma_semaphore, #tpu.memory_space<semaphore_mem>>
      %dma_start3A_7 = tpu.memref_slice %arg3[%mul3A_2] : memref<2048xi32, #tpu.memory_space<hbm>> -> memref<64xi32, #tpu.memory_space<hbm>>
      %dma_start3A_8 = tpu.memref_slice %arg3[%mul3A_2] : memref<2048xi32, #tpu.memory_space<hbm>> -> memref<64xi32, #tpu.memory_space<hbm>>
      tpu.enqueue_dma source(%dma_start3A_8 : memref<64xi32, #tpu.memory_space<hbm>>) target(%arg5 : memref<64xi32, #tpu.memory_space<vmem>>) target_semaphore(%run_scoped3A : memref<!tpu.dma_semaphore, #tpu.memory_space<semaphore_mem>>)
      %dma_wait3A_9 = tpu.memref_slice %arg3[%mul3A_2] : memref<2048xi32, #tpu.memory_space<hbm>> -> memref<64xi32, #tpu.memory_space<hbm>>
      %dma_wait3A_10 = tpu.memref_slice %arg3[%mul3A_2] : memref<2048xi32, #tpu.memory_space<hbm>> -> memref<64xi32, #tpu.memory_space<hbm>>
      tpu.wait_dma2 semaphore(%run_scoped3A : memref<!tpu.dma_semaphore, #tpu.memory_space<semaphore_mem>>) src(%dma_wait3A_10 : memref<64xi32, #tpu.memory_space<hbm>>) dst(%arg5 : memref<64xi32, #tpu.memory_space<vmem>>)
      tpu.yield
    }) : () -> ()
    %dma_start3A = arith.constant 0 : i32
    %dma_start3A_3 = arith.constant 0 : i32
    %dma_start3A_4 = tpu.memref_slice %arg2[%dma_start3A, %dma_start3A_3] : memref<512x256xf32, #tpu.memory_space<hbm>> -> memref<512x256xf32, #tpu.memory_space<hbm>>
    tpu.enqueue_indirect_dma source(%dma_start3A_4 : memref<512x256xf32, #tpu.memory_space<hbm>>) target(%arg6 : memref<64x256xf32, #tpu.memory_space<vmem>>) offsets(%arg5 : memref<64xi32, #tpu.memory_space<vmem>>) semaphore(%arg7 : memref<!tpu.dma_semaphore, #tpu.memory_space<semaphore_mem>>)
    %dma_wait3A = arith.constant 0 : i32
    %dma_wait3A_5 = arith.constant 0 : i32
    %dma_wait3A_6 = tpu.memref_slice %arg2[%dma_wait3A, %dma_wait3A_5] : memref<512x256xf32, #tpu.memory_space<hbm>> -> memref<512x256xf32, #tpu.memory_space<hbm>>
    tpu.wait_indirect_dma semaphore(%arg7 : memref<!tpu.dma_semaphore, #tpu.memory_space<semaphore_mem>>) src(%dma_wait3A_6 : memref<512x256xf32, #tpu.memory_space<hbm>>) dst(%arg6 : memref<64x256xf32, #tpu.memory_space<vmem>>)
    "tpu.region"() ({
      %run_scoped3A = tpu.sem_alloc : memref<!tpu.dma_semaphore, #tpu.memory_space<semaphore_mem>>
      %dma_start3A_7 = arith.constant 0 : i32
      %dma_start3A_8 = tpu.memref_slice %arg4[%mul3A_2, %dma_start3A_7] : memref<2048x256xf32, #tpu.memory_space<hbm>> -> memref<64x256xf32, #tpu.memory_space<hbm>>
      %dma_start3A_9 = arith.constant 0 : i32
      %dma_start3A_10 = tpu.memref_slice %arg4[%mul3A_2, %dma_start3A_9] : memref<2048x256xf32, #tpu.memory_space<hbm>> -> memref<64x256xf32, #tpu.memory_space<hbm>>
      tpu.enqueue_dma source(%arg6 : memref<64x256xf32, #tpu.memory_space<vmem>>) target(%dma_start3A_10 : memref<64x256xf32, #tpu.memory_space<hbm>>) target_semaphore(%run_scoped3A : memref<!tpu.dma_semaphore, #tpu.memory_space<semaphore_mem>>)
      %dma_wait3A_11 = arith.constant 0 : i32
      %dma_wait3A_12 = tpu.memref_slice %arg4[%mul3A_2, %dma_wait3A_11] : memref<2048x256xf32, #tpu.memory_space<hbm>> -> memref<64x256xf32, #tpu.memory_space<hbm>>
      %dma_wait3A_13 = arith.constant 0 : i32
      %dma_wait3A_14 = tpu.memref_slice %arg4[%mul3A_2, %dma_wait3A_13] : memref<2048x256xf32, #tpu.memory_space<hbm>> -> memref<64x256xf32, #tpu.memory_space<hbm>>
      tpu.wait_dma2 semaphore(%run_scoped3A : memref<!tpu.dma_semaphore, #tpu.memory_space<semaphore_mem>>) src(%arg6 : memref<64x256xf32, #tpu.memory_space<vmem>>) dst(%dma_wait3A_14 : memref<64x256xf32, #tpu.memory_space<hbm>>)
      tpu.yield
    }) : () -> ()
    return
  }
}

module attributes {stable_mosaic.version = 14 : i64} {
  func.func @_pick_block(%arg0: i32, %arg1: memref<256x256xf32, #tpu.memory_space<vmem>>, %arg2: memref<256x512xf32, #tpu.memory_space<vmem>>, %arg3: memref<512x256xf32, #tpu.memory_space<vmem>>, %arg4: memref<1x1x256xi32, #tpu.memory_space<vmem>>) attributes {dimension_semantics = [#tpu.dimension_semantics<arbitrary>], iteration_bounds = array<i64: 8>, scalar_prefetch = 0 : i64, scratch_operands = 0 : i64, tpu.core_type = #tpu.core_type<tc>, window_params = [{transform_indices = @transform_0, window_bounds = array<i64: 256, 256>}, {pipeline_mode = #tpu.pipeline_mode<synchronous>, transform_indices = @transform_1, window_bounds = array<i64: 256, 512>}, {pipeline_mode = #tpu.pipeline_mode<synchronous>, transform_indices = @transform_2, window_bounds = array<i64: 512, 256>}, {transform_indices = @transform_3, window_bounds = array<i64: 1, 1, 256>}]} {
    %get3A = arith.constant 0 : index
    %get3A_0 = arith.constant 0 : index
    %get3A_1 = vector.load %arg1[%get3A, %get3A_0] : memref<256x256xf32, #tpu.memory_space<vmem>>, vector<256x256xf32>
    %get3A_2 = arith.constant 0 : index
    %get3A_3 = arith.constant 0 : index
    %get3A_4 = vector.load %arg2[%get3A_2, %get3A_3] : memref<256x512xf32, #tpu.memory_space<vmem>>, vector<256x512xf32>
    %get3A_5 = arith.constant 0 : index
    %get3A_6 = arith.constant 0 : index
    %get3A_7 = vector.load %arg3[%get3A_5, %get3A_6] : memref<512x256xf32, #tpu.memory_space<vmem>>, vector<512x256xf32>
    %mul3A = arith.mulf %get3A_4, %get3A_4 : vector<256x512xf32>
    %reduce_sum3A = arith.constant dense<0.000000e+00> : vector<512xf32>
    %reduce_sum3A_8 = vector.multi_reduction <add>, %mul3A, %reduce_sum3A [0] : vector<256x512xf32> to vector<512xf32>
    %dot_general3A = arith.constant dense<0.000000e+00> : vector<256x512xf32>
    %dot_general3A_9 = tpu.matmul %get3A_1, %get3A_4, %dot_general3A {dimension_numbers = #tpu.dot_dimension_numbers<[1], [0], [0], [1], [0, 0, 1, 1], [], []>, precision = #tpu.contract_precision<fp32>, transpose_lhs_hint = false} : vector<256x256xf32>, vector<256x512xf32>, vector<256x512xf32> -> vector<256x512xf32>
    %broadcast_in_dim3A = vector.shape_cast %reduce_sum3A_8 : vector<512xf32> to vector<1x512xf32>
    %mul3A_10 = arith.constant 2.000000e+00 : f32
    %mul3A_11 = vector.broadcast %mul3A_10 : f32 to vector<256x512xf32>
    %mul3A_12 = arith.mulf %mul3A_11, %dot_general3A_9 : vector<256x512xf32>
    %sub3A = vector.broadcast %broadcast_in_dim3A : vector<1x512xf32> to vector<256x512xf32>
    %sub3A_13 = arith.subf %sub3A, %mul3A_12 : vector<256x512xf32>
    %iota3A = tpu.iota {dimensions = array<i32: 1>} : vector<256x512xi32>
    %reduce_min3A = arith.constant dense<0x7F800000> : vector<256xf32>
    %reduce_min3A_14 = vector.multi_reduction <minimumf>, %sub3A_13, %reduce_min3A [1] : vector<256x512xf32> to vector<256xf32>
    %broadcast_in_dim3A_15 = vector.shape_cast %reduce_min3A_14 : vector<256xf32> to vector<256x1xf32>
    %eq3A = vector.broadcast %broadcast_in_dim3A_15 : vector<256x1xf32> to vector<256x512xf32>
    %eq3A_16 = arith.cmpf oeq, %sub3A_13, %eq3A : vector<256x512xf32>
    %jit3A = arith.constant 512 : i32
    %broadcast_in_dim3A_17 = vector.broadcast %jit3A : i32 to vector<256x512xi32>
    %select_n3A = arith.select %eq3A_16, %iota3A, %broadcast_in_dim3A_17 : vector<256x512xi1>, vector<256x512xi32>
    %reduce_min3A_18 = arith.constant dense<2147483647> : vector<256xi32>
    %reduce_min3A_19 = vector.multi_reduction <minsi>, %select_n3A, %reduce_min3A_18 [1] : vector<256x512xi32> to vector<256xi32>
    %broadcast_in_dim3A_20 = vector.shape_cast %reduce_min3A_19 : vector<256xi32> to vector<256x1xi32>
    %eq3A_21 = vector.broadcast %broadcast_in_dim3A_20 : vector<256x1xi32> to vector<256x512xi32>
    %eq3A_22 = arith.cmpi eq, %iota3A, %eq3A_21 : vector<256x512xi32>
    %jit3A_23 = arith.constant 0x7F800000 : f32
    %broadcast_in_dim3A_24 = vector.broadcast %jit3A_23 : f32 to vector<256x512xf32>
    %select_n3A_25 = arith.select %eq3A_22, %broadcast_in_dim3A_24, %sub3A_13 : vector<256x512xi1>, vector<256x512xf32>
    %reduce_min3A_26 = arith.constant dense<0x7F800000> : vector<256xf32>
    %reduce_min3A_27 = vector.multi_reduction <minimumf>, %select_n3A_25, %reduce_min3A_26 [1] : vector<256x512xf32> to vector<256xf32>
    %broadcast_in_dim3A_28 = vector.shape_cast %reduce_min3A_27 : vector<256xf32> to vector<256x1xf32>
    %eq3A_29 = vector.broadcast %broadcast_in_dim3A_28 : vector<256x1xf32> to vector<256x512xf32>
    %eq3A_30 = arith.cmpf oeq, %select_n3A_25, %eq3A_29 : vector<256x512xf32>
    %jit3A_31 = arith.constant 512 : i32
    %broadcast_in_dim3A_32 = vector.broadcast %jit3A_31 : i32 to vector<256x512xi32>
    %select_n3A_33 = arith.select %eq3A_30, %iota3A, %broadcast_in_dim3A_32 : vector<256x512xi1>, vector<256x512xi32>
    %reduce_min3A_34 = arith.constant dense<2147483647> : vector<256xi32>
    %reduce_min3A_35 = vector.multi_reduction <minsi>, %select_n3A_33, %reduce_min3A_34 [1] : vector<256x512xi32> to vector<256xi32>
    %broadcast_in_dim3A_36 = vector.shape_cast %reduce_min3A_19 : vector<256xi32> to vector<256x1xi32>
    %eq3A_37 = vector.broadcast %broadcast_in_dim3A_36 : vector<256x1xi32> to vector<256x512xi32>
    %eq3A_38 = arith.cmpi eq, %iota3A, %eq3A_37 : vector<256x512xi32>
    %convert_element_type3A = arith.extui %eq3A_38 : vector<256x512xi1> to vector<256x512xi32>
    %convert_element_type3A_39 = arith.sitofp %convert_element_type3A : vector<256x512xi32> to vector<256x512xf32>
    %broadcast_in_dim3A_40 = vector.shape_cast %reduce_min3A_35 : vector<256xi32> to vector<256x1xi32>
    %eq3A_41 = vector.broadcast %broadcast_in_dim3A_40 : vector<256x1xi32> to vector<256x512xi32>
    %eq3A_42 = arith.cmpi eq, %iota3A, %eq3A_41 : vector<256x512xi32>
    %convert_element_type3A_43 = arith.extui %eq3A_42 : vector<256x512xi1> to vector<256x512xi32>
    %convert_element_type3A_44 = arith.sitofp %convert_element_type3A_43 : vector<256x512xi32> to vector<256x512xf32>
    %dot_general3A_45 = arith.constant dense<0.000000e+00> : vector<256x256xf32>
    %dot_general3A_46 = tpu.matmul %convert_element_type3A_39, %get3A_7, %dot_general3A_45 {dimension_numbers = #tpu.dot_dimension_numbers<[1], [0], [0], [1], [0, 0, 1, 1], [], []>, precision = #tpu.contract_precision<fp32>, transpose_lhs_hint = false} : vector<256x512xf32>, vector<512x256xf32>, vector<256x256xf32> -> vector<256x256xf32>
    %dot_general3A_47 = arith.constant dense<0.000000e+00> : vector<256x256xf32>
    %dot_general3A_48 = tpu.matmul %convert_element_type3A_44, %get3A_7, %dot_general3A_47 {dimension_numbers = #tpu.dot_dimension_numbers<[1], [0], [0], [1], [0, 0, 1, 1], [], []>, precision = #tpu.contract_precision<fp32>, transpose_lhs_hint = false} : vector<256x512xf32>, vector<512x256xf32>, vector<256x256xf32> -> vector<256x256xf32>
    %sub3A_49 = arith.subf %get3A_1, %dot_general3A_46 : vector<256x256xf32>
    %integer_pow3A = arith.mulf %sub3A_49, %sub3A_49 : vector<256x256xf32>
    %reduce_sum3A_50 = arith.constant dense<0.000000e+00> : vector<256xf32>
    %reduce_sum3A_51 = vector.multi_reduction <add>, %integer_pow3A, %reduce_sum3A_50 [1] : vector<256x256xf32> to vector<256xf32>
    %sub3A_52 = arith.subf %get3A_1, %dot_general3A_48 : vector<256x256xf32>
    %integer_pow3A_53 = arith.mulf %sub3A_52, %sub3A_52 : vector<256x256xf32>
    %reduce_sum3A_54 = arith.constant dense<0.000000e+00> : vector<256xf32>
    %reduce_sum3A_55 = vector.multi_reduction <add>, %integer_pow3A_53, %reduce_sum3A_54 [1] : vector<256x256xf32> to vector<256xf32>
    %lt3A = arith.cmpf olt, %reduce_sum3A_51, %reduce_sum3A_55 : vector<256xf32>
    %eq3A_56 = arith.cmpf oeq, %reduce_sum3A_51, %reduce_sum3A_55 : vector<256xf32>
    %lt3A_57 = arith.cmpi slt, %reduce_min3A_19, %reduce_min3A_35 : vector<256xi32>
    %and3A = arith.andi %eq3A_56, %lt3A_57 : vector<256xi1>
    %or3A = arith.ori %lt3A, %and3A : vector<256xi1>
    %select_n3A_58 = arith.select %or3A, %reduce_min3A_19, %reduce_min3A_35 : vector<256xi1>, vector<256xi32>
    %swap3A = arith.constant 0 : index
    %swap3A_59 = arith.constant 0 : index
    %swap3A_60 = arith.constant 0 : index
    %swap3A_61 = vector.load %arg4[%swap3A, %swap3A_59, %swap3A_60] : memref<1x1x256xi32, #tpu.memory_space<vmem>>, vector<1x1x256xi32>
    %swap3A_62 = vector.shape_cast %swap3A_61 : vector<1x1x256xi32> to vector<256xi32>
    %swap3A_63 = vector.shape_cast %select_n3A_58 : vector<256xi32> to vector<1x1x256xi32>
    tpu.vector_store %arg4[%swap3A, %swap3A_59, %swap3A_60], %swap3A_63 {strides = array<i32>} : memref<1x1x256xi32, #tpu.memory_space<vmem>>, vector<1x1x256xi32>,
    return
  }
  func.func @transform_0(%arg0: i32) -> (i32, i32) {
    %c0_i32 = arith.constant 0 : i32
    %c0_i32_0 = arith.constant 0 : i32
    return %arg0, %c0_i32 : i32, i32
  }
  func.func @transform_1(%arg0: i32) -> (i32, i32) {
    %c0_i32 = arith.constant 0 : i32
    %c0_i32_0 = arith.constant 0 : i32
    %c0_i32_1 = arith.constant 0 : i32
    return %c0_i32, %c0_i32_0 : i32, i32
  }
  func.func @transform_2(%arg0: i32) -> (i32, i32) {
    %c0_i32 = arith.constant 0 : i32
    %c0_i32_0 = arith.constant 0 : i32
    %c0_i32_1 = arith.constant 0 : i32
    return %c0_i32, %c0_i32_0 : i32, i32
  }
  func.func @transform_3(%arg0: i32) -> (i32, i32, i32) {
    %c0_i32 = arith.constant 0 : i32
    %c0_i32_0 = arith.constant 0 : i32
    %c0_i32_1 = arith.constant 0 : i32
    return %arg0, %c0_i32, %c0_i32_0 : i32, i32, i32
  }
}

</mosaic_0001>

<sc_bundles>
// kernel: kernel.4.cloned.1.call-start
scs
__scs_entry_jumppad:
0x0: {  	(pc) =	sbr.rel $0x88, $3  }
0x1: {  	(tag) =	ssettag $0x0;
	lr =	simm.s32 $0x1  }
0x2: {  	[smem:$0x3F9F] =	sst lr;
	_ =	strace $0xD0000000  }
0x3: {  	_ = 	snop  }
0x4: {  	_ = 	snop  }
0x5: {  	_ = 	snop  }
0x6: {  	_ = 	snop  }
0x7: {  	_ = 	snop  }
__scs_overlays_trampoline_lowered:
0x8: {  	[smem:$0x3FAE] =	sst s0  }
0x9: {  	[smem:$0x3FAF] =	sst s1  }
0xa: {  	[smem:$0x3FB0] =	sst s2  }
0xb: {  	[smem:$0x3FB1] =	sst s3  }
0xc: {  	[smem:$0x3FB2] =	sst s4  }
0xd: {  	[smem:$0x3FB3] =	sst s5  }
0xe: {  	[smem:$0x3FB4] =	sst s6  }
0xf: {  	[smem:$0x3FB5] =	sst s7  }
0x10: {  	[smem:$0x3FB6] =	sst s8  }
0x11: {  	[smem:$0x3FB7] =	sst s9;
	s0 =	simm.s32 @!p0 $0x0  }
0x12: {  	s1 =	sld [smem:$0x3F9D];
	s0 =	simm.s32 @p0 $0x1  }
0x13: {  	[smem:$0x3FB8] =	sst s0;
	s0 =	simm.s32 @!p1 $0x0  }
0x14: {  	s2 =	sld [smem:$0x3F9C];
	s0 =	simm.s32 @p1 $0x1  }
0x15: {  	[smem:$0x3FB9] =	sst s0;
	s0 =	simm.s32 @!p2 $0x0  }
0x16: {  	s3 =	sld [smem:$0x3FDB];
	s0 =	simm.s32 @p2 $0x1  }
0x17: {  	s4 =	simm.s32 $0x1BF5;
	[smem:$0x3FBB] =	sst s0  }
0x18: {  	s0 =	sld [smem:$0x3F9E];
	_ =	swait.ge [sflag:s4], $0x0  }
0x19: {  	s7 =	sld [smem:$0x3F9F]  }
0x1a: {  	s8 =	sadd.s32 $0xFFFFE003, lr  }
0x1b: {  	s9 =	sadd.s32 $0xFFFFFEF7, lr;
	s5 =	simm.s32 $0xFFFFFFFF;
	p2 =	slt.u32 s8, $0xFFFFF086  }
0x1c: {  	p1 =	slt.u32 s9, $0xF7A;
	s5 =	simm.s32 @!p2 $0x0  }
0x1d: {  	s5 =	simm.s32 @p1 $0x1;
	p0 =	seq.s32 s7, s2  }
0x1e: {  	s7 =	smul.u32 @!p0 $0xF7A, s2;
	p2 =	seq.s32 @!p0 s5, $0x0  }
0x1f: {  	s9 =	smul.u32 $0xF7A, s1;
	s8 =	simm.s32 @!p0 $0x1BF5;
	p2 =	por !p2, p0  }
0x20: {  	[sflag:s8] =	ssyncset.s32 @!p0 $0xFFFFF086;
	s6 =	sadd.s32 @!p0 s3, s7;
	s7 =	simm.s32 @!p0 $0x108  }
0x21: {  	s3 =	sadd.s32 s3, s9;
	s6 =	sadd.s32 @!p0 $0x88, s6;
	s7 =	simm.s32 @p2 $0x1082  }
0x22: {  	[simem:s7], [sflag:s8] =	dma.local @!p0 [hbm:s6], $0xF7A  }
0x23: {  	s9 =	sor.u32 $0xD0000000, s2;
	s6 =	simm.s32 $0x108;
	_ =	swait.ge @!p0 [sflag:s8], $0x0  }
0x24: {  	s3 =	sadd.s32 $0x88, s3;
	s6 =	simm.s32 @!p1 $0x1082;
	[sflag:s4] =	ssyncset.s32 $0xFFFFF086  }
0x25: {  	[simem:s6], [sflag:s4] =	dma.local [hbm:s3], $0xF7A  }
0x26: {  	[smem:$0x3F9F] =	sst s1;
	(tag) =	ssettag s2;
	_ =	strace s9  }
0x27: {  	s1 =	sld [smem:$0x3FAF]  }
0x28: {  	s2 =	sld [smem:$0x3FB0]  }
0x29: {  	s4 =	sld [smem:$0x3FB2]  }
0x2a: {  	p0 =	seq.s32 s5, $0x0;
	s5 =	sld [smem:$0x3FB3]  }
0x2b: {  	s6 =	sld [smem:$0x3FB4]  }
0x2c: {  	s7 =	sld [smem:$0x3FB5]  }
0x2d: {  	s3 =	simm.s32 $0x108;
	s8 =	sld [smem:$0x3FB6]  }
0x2e: {  	s3 =	simm.s32 @!p0 $0x1082;
	s9 =	sld [smem:$0x3FB7]  }
0x2f: {  	lr =	sadd.s32 s0, s3;
	s0 =	sld [smem:$0x3FAE]  }
0x30: {  	s3 =	sld [smem:$0x3FB1]  }
0x31: {  	[smem:$0x3FBA] =	sst s10  }
0x32: {  	s10 =	sld [smem:$0x3FB8];
	_ =	sdelay $0x3  }
0x33: {  	p0 =	seq.s32 s10, $0x1;
	s10 =	sld [smem:$0x3FBA];
	_ =	sdelay $0x3  }
0x34: {  	[smem:$0x3FBA] =	sst s10  }
0x35: {  	s10 =	sld [smem:$0x3FB9];
	_ =	sdelay $0x3  }
0x36: {  	p1 =	seq.s32 s10, $0x1;
	s10 =	sld [smem:$0x3FBA];
	_ =	sdelay $0x3  }
0x37: {  	[smem:$0x3FBA] =	sst s10  }
0x38: {  	s10 =	sld [smem:$0x3FBB]  }
0x39: {  	_ = 	snop;
	(pc) =	sbr.ind lr, $3  }
0x3a: {  	_ = 	snop  }
0x3b: {  	_ = 	snop  }
0x3c: {  	p2 =	seq.s32 s10, $0x1;
	s10 =	sld [smem:$0x3FBA]  }
0x3d: {  	_ =	shalt  }
0x3e: {  	_ =	shalt  }
0x3f: {  	_ =	shalt  }
0x40: {  	_ =	shalt  }
0x41: {  	_ =	shalt  }
0x42: {  	_ =	shalt  }
0x43: {  	_ =	shalt  }
0x44: {  	_ =	shalt  }
0x45: {  	_ =	shalt  }
0x46: {  	_ =	shalt  }
0x47: {  	_ =	shalt  }
0x48: {  	_ =	shalt  }
0x49: {  	_ =	shalt  }
0x4a: {  	_ =	shalt  }
0x4b: {  	_ =	shalt  }
0x4c: {  	_ =	shalt  }
0x4d: {  	_ =	shalt  }
0x4e: {  	_ =	shalt  }
0x4f: {  	_ =	shalt  }
0x50: {  	_ =	shalt  }
0x51: {  	_ =	shalt  }
0x52: {  	_ =	shalt  }
0x53: {  	_ =	shalt  }
0x54: {  	_ =	shalt  }
0x55: {  	_ =	shalt  }
0x56: {  	_ =	shalt  }
0x57: {  	_ =	shalt  }
0x58: {  	_ =	shalt  }
0x59: {  	_ =	shalt  }
0x5a: {  	_ =	shalt  }
0x5b: {  	_ =	shalt  }
0x5c: {  	_ =	shalt  }
0x5d: {  	_ =	shalt  }
0x5e: {  	_ =	shalt  }
0x5f: {  	_ =	shalt  }
0x60: {  	_ =	shalt  }
0x61: {  	_ =	shalt  }
0x62: {  	_ =	shalt  }
0x63: {  	_ =	shalt  }
0x64: {  	_ =	shalt  }
0x65: {  	_ =	shalt  }
0x66: {  	_ =	shalt  }
0x67: {  	_ =	shalt  }
0x68: {  	_ =	shalt  }
0x69: {  	_ =	shalt  }
0x6a: {  	_ =	shalt  }
0x6b: {  	_ =	shalt  }
0x6c: {  	_ =	shalt  }
0x6d: {  	_ =	shalt  }
0x6e: {  	_ =	shalt  }
0x6f: {  	_ =	shalt  }
0x70: {  	_ =	shalt  }
0x71: {  	_ =	shalt  }
0x72: {  	_ =	shalt  }
0x73: {  	_ =	shalt  }
0x74: {  	_ =	shalt  }
0x75: {  	_ =	shalt  }
0x76: {  	_ =	shalt  }
0x77: {  	_ =	shalt  }
0x78: {  	_ =	shalt  }
0x79: {  	_ =	shalt  }
0x7a: {  	_ =	shalt  }
0x7b: {  	_ =	shalt  }
0x7c: {  	_ =	shalt  }
0x7d: {  	_ =	shalt  }
0x7e: {  	_ =	shalt  }
0x7f: {  	_ =	shalt  }
0x80: {  	_ =	shalt  }
0x81: {  	_ =	shalt  }
0x82: {  	_ =	shalt  }
0x83: {  	_ =	shalt  }
0x84: {  	_ =	shalt  }
0x85: {  	_ =	shalt  }
0x86: {  	_ =	shalt  }
0x87: {  	_ =	shalt  }
.Lfunc_end0:
.L_simem_size_0:
called_computation_lowered:
.L_overlay_start_0:
0x88: {  	s2 =	sld [smem:$0x3FD9]  }
0x89: {  	s3 =	sld [smem:$0x3FFE];
	_ =	sdelay $0x1  }
0x8a: {  	s1 =	srdreg.scid  }
0x8b: {  	s0 =	sand.u32 $0x1, s1  }
0x8c: {  	s17 =	sshll.u32 s0, $0xA;
	s2 =	sadd.s32 s3, s2  }
0x8d: {  	s2 =	sadd.s32 s2, s17  }
0x8e: {  	[smem:$0x3FC6] =	sst s2  }
0x8f: {  	_ = 	snop  }
0x90: {  	s2 =	sld [smem:$0x3FD0];
	(tm) =	ssettm $0x1  }
0x91: {  	s18 =	sld [smem:$0x3FFB];
	_ =	sdelay $0x3  }
0x92: {  	_ =	strace s18  }
0x93: {  	s3 =	sld [smem:$0x3FFC];
	_ =	sdelay $0x3  }
0x94: {  	_ =	strace s3  }
0x95: {  	s3 =	sld [smem:$0x3FFD];
	_ =	sdelay $0x3  }
0x96: {  	_ =	strace s3  }
0x97: {  	_ =	strace $0x8FFFFFFF  }
0x98: {  	s19 =	sld [smem:$0x3FDB];
	_ =	sdelay $0x1  }
0x99: {  	s4 =	simm.s32 $_scs_section_size  }
0x9a: {  	s5 =	simm.s32 $_size__tile_overlayer_lowered;
	s6 =	simm.s32 $_tile_overlayer_lowered  }
0x9b: {  	s22 =	simm.s32 $0x1BFF;
	s21 =	sshll.u32 s6, $0x1;
	s3 =	sadd.s32 s4, s19  }
0x9c: {  	s7 =	simm.s32 $0x0;
	s20 =	sshll.u32 s5, $0x1;
	s5 =	sadd.s32 s21, s3  }
0x9d: {  	[timem:s7], [sflag:s22] =	dma.local [hbm:s5], s20  }
0x9e: {  	_ =	swait.ge [sflag:s22], s20  }
0x9f: {  	s4 =	ssub.s32 $0x0, s20;
	[sflag:s22] =	ssyncset.done $0x0  }
0xa0: {  	[sflag:s22] =	ssyncadd.s32 s4;
	_ =	sdelay $0x1  }
0xa1: {  	s23 =	simm.s32 $0x1B8B  }
0xa2: {  	_ =	swait.ge [sflag:s23], $0x1  }
0xa3: {  	[sflag:s23] =	ssyncset.done $0x0  }
0xa4: {  	s25 =	simm.s32 $0x1B8E;
	s24 =	sld [smem:$0x3FFE];
	[sflag:s23] =	ssyncadd.s32 $0xFFFFFFFF  }
0xa5: {  	s26 =	simm.s32 $execute0_lowered;
	[smem:$0x3FD2] =	sst s25  }
0xa6: {  	s5 =	sshll.u32 s26, $0x1;
	_ =	strace $0x80000046;
	[dreg:$0x1] =	wrdreg $0xFFFFFFFF  }
0xa7: {  	s28 =	simm.s32 $_size_execute0_lowered;
	s3 =	sadd.s32 s3, s5;
	[dreg:$0x0] =	wrdreg $0x0  }
0xa8: {  	s5 =	sshll.u32 s28, $0x1;
	[dreg:$0x2] =	wrdreg s3  }
0xa9: {  	[dreg:$0x3] =	wrdreg s5  }
0xaa: {  	[dreg:$0x4] =	wrdreg $0xC0  }
0xab: {  	_ =	task [dreg:s7], $0x5FFFF  }
0xac: {  	[dreg:$0x1] =	wrdreg $0xFFFFFFFF  }
0xad: {  	[dreg:$0x0] =	wrdreg $0x60  }
0xae: {  	[dreg:$0x2] =	wrdreg s24  }
0xaf: {  	[dreg:$0x3] =	wrdreg s2  }
0xb0: {  	[dreg:$0x4] =	wrdreg $0x9  }
0xb1: {  	_ =	task.clear_ibuf [dreg:s7], $0x5FFFF;
	_ =	strace $0x90000046  }
0xb2: {  	s29 =	simm.s32 $0x9;
	_ =	strace $0x80000048  }
0xb3: {  	_ =	swait.ge [sflag:s29], $0x1  }
0xb4: {  	[sflag:s29] =	ssyncadd.s32 $0xFFFFFFFF  }
0xb5: {  	_ =	strace $0x90000048  }
0xb6: {  	_ =	sfence  }
0xb7: {  	s30 =	sld [smem:$0x0];
	_ =	sdelay $0x2  }
0xb8: {  	s31 =	sshll.u32 s1, $0xD;
	s1 =	sshrl.u32 s1, $0x2  }
0xb9: {  	s3 =	sand.u32 $0x4000, s31;
	s1 =	sadd.s32 s1, s30  }
0xba: {  	s0 =	sor.u32 s3, s0;
	s1 =	sshll.u32 s1, $0x11  }
0xbb: {  	s0 =	sor.u32 s1, s0  }
0xbc: {  	s0 =	sadd.s32 $0x8F2B, s0  }
0xbd: {  	[sflag:s0] =	ssyncadd.remote.s32 $0x1  }
0xbe: {  	_ =	sfence.sel $0xFFFF  }
0xbf: {  	[dreg:$0x0] =	wrdreg $0xFFFFFFFF;
	(pc) =	sbr.abs _section_cstart, $3  }
0xc0: {  	[dreg:$0x1] =	wrdreg $0xFFFFFFFF  }
0xc1: {  	_ =	task.clear_ibuf [dreg:s7], $0x2FFFF;
	_ =	strace $0x9FFFFFFF  }
0xc2: {  	(tm) =	ssettm $0x7FFFFFFF  }
0xc3: {  	_ =	shalt  }
tec
execute0_lowered:
.L_overlay_start_1:
0x0: {  	(tag) =	ssettag $0x1  }
0x1: {  	s4 =	rddreg [dreg:$0x0]  }
0x2: {  	s5 =	rddreg [dreg:$0x1];
	s2 =	srdreg.scid  }
0x3: {  	s0 =	rddreg [dreg:$0x2];
	s1 =	stileid.u32  }
0x4: {  	s9 =	simm.s32 $0x880;
	s10 =	simm.s32 $0x1080;
	s11 =	simm.s32 $0x1880  }
0x5: {  	s12 =	simm.s32 $0x2080;
	s13 =	simm.s32 $0x2880;
	s14 =	simm.s32 $0x3080  }
0x6: {  	s15 =	simm.s32 $0x3880;
	s16 =	simm.s32 $0x1;
	s3 =	sand.u32 $0x1, s2  }
0x7: {  	s2 =	simm.s32 $0x0;
	s6 =	sshll.u32 s1, $0x7;
	s7 =	sshll.u32 s3, $0x6  }
0x8: {  	[smem:$0x7FF] =	sst s2;
	s8 =	ssub.s32 $0x2, s3;
	s6 =	sor.u32 s7, s6  }
0x9: {  	s3 =	sadd.s32 $0xC00, s4;
	_ =	strace $0x80000047;
	s7 =	sshrl.u32 s6, $0x3  }
0xa: {  	v2 =	vlaneseq.u32;
	s31 =	sshrl.u32 s8, $0x1;
	s6 =	sshll.u32 s6, $0x5;
	s4 =	sadd.s32 s7, s4  }
0xb: {  	vm0 =	vmmov $0xffff;
	v1 =	vshrl.u32 v2, $0x3;
	s7 =	ssub.s32 s8, s31;
	s5 =	sadd.s32 s5, s6;
	s8 =	simm.s32 $0x80  }
0xc: {  	v0 =	vand.u32 $0x7, v2;
	v2 =	vor.u32 $0x8, v2;
	v1 =	vmul.u32 $0x8, v1;
	s4 =	sadd.s32 $0x4C00, s4;
	s6 =	smax.u32 s7, $0x1;
	s7 =	simm.s32 $0x2  }
.LBB2_1:
0xd: {  	[tilespmem:s2], [sflag:$0x2] =	stream.linear.gather [hbm4b:s4+s2], $0x40, $0x38;
	[tilespmem:$0x4080] =	vst v63  }
0xe: {  	_ =	swait.ge [sflag:s7], $0x40  }
0xf: {  	[sflag:s7] =	ssyncset.done $0x0  }
0x10: {  	[sflag:s7] =	ssyncadd.s32 $0xFFFFFFC0  }
0x11: {  	v3 =	vld [tilespmem:$0x0];
	_ =	sdelay $0x4  }
0x12: {  	v4 =	vshll.u32 v3, $0x1  }
0x13: {  	v3 =	vand.u32 $0x7, v3;
	v4 =	vand.u32 $0xFFFFFFF0, v4  }
0x14: {  	v3 =	vor.u32 v3, v4  }
0x15: {  	v4 =	vperm.xlane v3, v0;
	_ =	sdelay $0x1  }
0x16: {  	v3 =	vperm.xlane v3, v2;
	v4 =	vadd.s32 v1, v4;
	_ =	sdelay $0x1  }
0x17: {  	v3 =	vadd.s32 v1, v3;
	_ =	sdelay $0x2  }
0x18: {  	[tilespmem:s8], [sflag:$0x1] =	stream.indirect_vreg.gather [hbm4b:s3+s2], $0x80, v4, vm0, $0xb8;
	[tilespmem:$0x4080] =	vst v63  }
0x19: {  	_ = 	snop  }
0x1a: {  	[tilespmem:s9], [sflag:$0x1] =	stream.indirect_vreg.gather [hbm4b:s3+s2], $0x80, v3, vm0, $0xb8;
	[tilespmem:$0x4080] =	vst v63  }
0x1b: {  	v3 =	vld [tilespmem:$0x10];
	_ =	sdelay $0x4  }
0x1c: {  	v61 =	vshll.u32 v3, $0x1  }
0x1d: {  	v3 =	vand.u32 $0x7, v3;
	v4 =	vand.u32 $0xFFFFFFF0, v61  }
0x1e: {  	v3 =	vor.u32 v3, v4  }
0x1f: {  	v4 =	vperm.xlane v3, v0;
	_ =	sdelay $0x1  }
0x20: {  	v3 =	vperm.xlane v3, v2;
	v4 =	vadd.s32 v1, v4;
	_ =	sdelay $0x1  }
0x21: {  	v3 =	vadd.s32 v1, v3;
	_ =	sdelay $0x2  }
0x22: {  	[tilespmem:s10], [sflag:$0x1] =	stream.indirect_vreg.gather [hbm4b:s3+s2], $0x80, v4, vm0, $0xb8;
	[tilespmem:$0x4080] =	vst v63  }
0x23: {  	_ = 	snop  }
0x24: {  	[tilespmem:s11], [sflag:$0x1] =	stream.indirect_vreg.gather [hbm4b:s3+s2], $0x80, v3, vm0, $0xb8;
	[tilespmem:$0x4080] =	vst v63  }
0x25: {  	v3 =	vld [tilespmem:$0x20];
	_ =	sdelay $0x4  }
0x26: {  	v62 =	vshll.u32 v3, $0x1  }
0x27: {  	v3 =	vand.u32 $0x7, v3;
	v4 =	vand.u32 $0xFFFFFFF0, v62  }
0x28: {  	v3 =	vor.u32 v3, v4  }
0x29: {  	v4 =	vperm.xlane v3, v0;
	_ =	sdelay $0x1  }
0x2a: {  	v3 =	vperm.xlane v3, v2;
	v4 =	vadd.s32 v1, v4;
	_ =	sdelay $0x1  }
0x2b: {  	v3 =	vadd.s32 v1, v3;
	_ =	sdelay $0x2  }
0x2c: {  	[tilespmem:s12], [sflag:$0x1] =	stream.indirect_vreg.gather [hbm4b:s3+s2], $0x80, v4, vm0, $0xb8;
	[tilespmem:$0x4080] =	vst v63  }
0x2d: {  	_ = 	snop  }
0x2e: {  	[tilespmem:s13], [sflag:$0x1] =	stream.indirect_vreg.gather [hbm4b:s3+s2], $0x80, v3, vm0, $0xb8;
	[tilespmem:$0x4080] =	vst v63  }
0x2f: {  	v3 =	vld [tilespmem:$0x30];
	_ =	sdelay $0x4  }
0x30: {  	v63 =	vshll.u32 v3, $0x1  }
0x31: {  	v3 =	vand.u32 $0x7, v3;
	v4 =	vand.u32 $0xFFFFFFF0, v63  }
0x32: {  	v3 =	vor.u32 v3, v4  }
0x33: {  	v4 =	vperm.xlane v3, v0;
	_ =	sdelay $0x1  }
0x34: {  	v3 =	vperm.xlane v3, v2;
	v4 =	vadd.s32 v1, v4;
	_ =	sdelay $0x1  }
0x35: {  	v3 =	vadd.s32 v1, v3;
	_ =	sdelay $0x2  }
0x36: {  	[tilespmem:s14], [sflag:$0x1] =	stream.indirect_vreg.gather [hbm4b:s3+s2], $0x80, v4, vm0, $0xb8;
	[tilespmem:$0x4080] =	vst v63  }
0x37: {  	_ = 	snop  }
0x38: {  	[tilespmem:s15], [sflag:$0x1] =	stream.indirect_vreg.gather [hbm4b:s3+s2], $0x80, v3, vm0, $0xb8;
	[tilespmem:$0x4080] =	vst v63  }
0x39: {  	_ =	swait.ge [sflag:s16], $0x4000  }
0x3a: {  	p0 =	sne.s32 s6, $0x1;
	[sflag:s16] =	ssyncset.done $0x0  }
.Ltmp0:
0x3b: {  	[sflag:s16] =	ssyncadd.s32 $0xFFFFC000;
	(pc) =	sbr.rel @p0 .LBB2_1-.Ltmp0, $4  }
0x3c: {  	[hbm4b:s5+s2] =	stream.linear.scatter [tilespmem:s8], [sflag:$0x2], $0x4000, $0x38;
	[tilespmem:$0x4080] =	vst v63  }
0x3d: {  	_ =	swait.ge [sflag:s7], $0x4000  }
0x3e: {  	[sflag:s7] =	ssyncset.done $0x0  }
0x3f: {  	s6 =	sadd.s32 $0xFFFFFFFF, s6;
	[sflag:s7] =	ssyncadd.s32 $0xFFFFC000  }
0x40: {  	_ =	sfence.sel $0x180000  }
0x41: {  	[bflag:$0x0] =	sbarrier.arrive $0xFFFF  }
0x42: {  	p0 =	sne.s32 s1, $0x0;
	_ =	strace $0x90000047  }
0x43: {  	s0 =	sadd.s32 @!p0 $0x100000, s0;
	[bflag:$0x2] =	sbarrier.arrive $0xFFFF  }
0x44: {  	[sflag:s0] =	ssyncadd.tile.s32 @!p0 $0x1;
	_ =	shalt  }
.Lfunc_end2:
_tile_overlayer_lowered:
.L_overlay_start_2:
0x45: {  	(tag) =	ssettag $0x2  }
0x46: {  	s0 =	rddreg [dreg:$0x0];
	s2 =	stileid.u32  }
0x47: {  	s1 =	rddreg [dreg:$0x1];
	p0 =	sne.s32 s2, $0x0  }
0x48: {  	s3 =	rddreg [dreg:$0x2];
	[bflag:$0x3] =	sbarrier.arrive $0xFFFF;
	s2 =	simm.s32 @!p0 $0x1C02  }
0x49: {  	[timem:s3], [sflag:s2] =	dma.local @!p0 [hbm:s0], s1  }
0x4a: {  	s0 =	simm.s32 @!p0 $0x2  }
0x4b: {  	_ =	swait.ge @!p0 [sflag:s0], s1  }
0x4c: {  	s1 =	ssub.s32 @!p0 $0x0, s1;
	[sflag:s0] =	ssyncset.done @!p0 $0x0  }
0x4d: {  	[sflag:s0] =	ssyncadd.s32 @!p0 s1  }
0x4e: {  	[bflag:$0x3] =	sbarrier.arrive $0xFFFF  }
0x4f: {  	_ =	shalt  }

</sc_bundles>
